<compile_context>
chip_gen: v7x
topology: tpu7x:2x2x1
jax: 0.10.2.dev20260603
libtpu: 0.0.44.dev20260713+nightly
codegen_flags: <defaults>
</compile_context>

<pallas_src>
import functools

import jax
import jax.numpy as jnp
from jax import lax
from jax.experimental import pallas as pl
from jax.experimental.pallas import tpu as pltpu
from jax.experimental.pallas import tpu_sc as plsc

MAX_LEN = 600


def _prep_body(rel_ref, cur_ref, temp_ref, comb_ref, idx_ref, *, seq_len,
               rel_rows, batch):
    rows = lax.broadcasted_iota(jnp.int32, (seq_len, rel_rows), 0)
    cols = lax.broadcasted_iota(jnp.int32, (seq_len, rel_rows), 1)
    d = cols - rows
    band = ((d >= MAX_LEN - seq_len) & (d <= MAX_LEN - 1)).astype(jnp.float32)
    rel_sum = jnp.dot(band, rel_ref[...], preferred_element_type=jnp.float32)
    for k in range(3):
        comb_ref[pl.ds(k * seq_len, seq_len), :] = (
            rel_sum + temp_ref[pl.ds(k, 1), :])
    pos = lax.broadcasted_iota(jnp.int32, (seq_len, batch), 0)
    cur = cur_ref[...]
    tsel = jnp.where(pos < cur, 2, jnp.where(pos > cur, 1, 0))
    idx_ref[...] = tsel * seq_len + pos


def kernel(x, current_frame_idx, rel_table, temp_table):
    seq_len, batch, embed = x.shape
    rel_rows = rel_table.shape[0]
    nrows = seq_len * batch

    cur_row = current_frame_idx.astype(jnp.int32).reshape(1, batch)
    comb, idx = pl.pallas_call(
        functools.partial(_prep_body, seq_len=seq_len, rel_rows=rel_rows,
                          batch=batch),
        out_shape=(jax.ShapeDtypeStruct((3 * seq_len, embed), jnp.float32),
                   jax.ShapeDtypeStruct((seq_len, batch), jnp.int32)),
    )(rel_table, cur_row, temp_table)

    info = plsc.get_sparse_core_info()
    nw = info.num_cores * info.num_subcores
    rows_per_w = nrows // nw
    chunk = 128
    nchunks = rows_per_w // chunk

    mesh = plsc.VectorSubcoreMesh(core_axis_name="c", subcore_axis_name="s")

    @functools.partial(
        pl.kernel, mesh=mesh,
        out_type=jax.ShapeDtypeStruct((nrows, embed), jnp.float32),
        scratch_types=[
            pltpu.VMEM((chunk,), jnp.int32),
            pltpu.VMEM((chunk, embed), jnp.float32),
            pltpu.VMEM((chunk, embed), jnp.float32),
            pltpu.SemaphoreType.DMA,
            pltpu.SemaphoreType.DMA,
        ],
    )
    def sc_add(x_hbm, comb_hbm, idx_hbm, out_hbm, idx_v, xbuf, cbuf,
               semx, semc):
        wid = lax.axis_index("s") * info.num_cores + lax.axis_index("c")

        def do_chunk(c, carry):
            base = wid * rows_per_w + c * chunk
            cpx = pltpu.async_copy(x_hbm.at[pl.ds(base, chunk)], xbuf, semx)
            cpx.wait()
            pltpu.sync_copy(xbuf, out_hbm.at[pl.ds(base, chunk)])
            return carry

        lax.fori_loop(0, nchunks, do_chunk, 0)

    out = sc_add(x.reshape(nrows, embed), comb, idx.reshape(nrows))
    return out.reshape(seq_len, batch, embed)

# --- scband reference (transcript-rebuilt; emitter-appended) ---
"""Pipeline reference for scband-positional-encoding-8959301780112 (READ-ONLY COPY).

The authoritative reference and input builder live on the scoring server;
editing this copy changes nothing except your own understanding.
"""

import jax, jax.numpy as jnp
import numpy as np

MAX_LEN = 600
EMBED_DIM = 128
SEQ_LEN = 512
BATCH = 64


def setup_inputs(seed: int = 0) -> dict:
    key = jax.random.key(seed)
    k1, k2, k3, k4 = jax.random.split(key, 4)
    x = jax.random.normal(k1, (SEQ_LEN, BATCH, EMBED_DIM), dtype=jnp.float32)
    current_frame_idx = jax.random.randint(k2, (BATCH,), 0, SEQ_LEN, dtype=jnp.int64 if jax.config.jax_enable_x64 else jnp.int32)
    rel_table = jax.random.normal(k3, (2 * MAX_LEN - 1, EMBED_DIM), dtype=jnp.float32) * 0.02
    temp_table = jax.random.normal(k4, (3, EMBED_DIM), dtype=jnp.float32) * 0.02
    return {"x": x, "current_frame_idx": current_frame_idx, "rel_table": rel_table, "temp_table": temp_table}


def reference(x, current_frame_idx, rel_table, temp_table):
    seq_len, batch_size, embed_dim = x.shape
    positions = jnp.arange(seq_len)
    relative_positions = positions[:, None] - positions[None, :]
    relative_positions = relative_positions + (MAX_LEN - 1)
    # gather: (seq_len, seq_len, embed_dim)
    rel_enc = jnp.take(rel_table, relative_positions, axis=0)
    # torch code expands to (S, B, S, D), indexes dim 2 with arange(S) (a no-op
    # reindex), then sums dim 2. Batch-invariant, so sum once and broadcast:
    rel_sum = rel_enc.sum(axis=1)  # (seq_len, embed_dim)
    # temporal indices: -1 before current frame, 0 at it, 1 after.
    # Python/jax-style negative indexing wraps -1 -> row 2 of the 3-row table.
    pos = positions[:, None]              # (S, 1)
    cur = current_frame_idx[None, :]      # (1, B)
    temporal_indices = jnp.where(pos < cur, -1, jnp.where(pos > cur, 1, 0))
    temp_enc = jnp.take(temp_table, temporal_indices % 3, axis=0)  # (S, B, D)
    return x + temp_enc + rel_sum[:, None, :]

if __name__ == "__main__":
    import jax
    _d = setup_inputs()
    print(jax.jit(kernel)(*tuple(_d.values())))

</pallas_src>

<mosaic_0001>
#map = affine_map<(d0, d1) -> (0, 0)>
#map1 = affine_map<(d0, d1) -> (0)>
module attributes {stable_mosaic.version = 14 : i64} {
  func.func @sc_add(%arg0: i32, %arg1: i32, %arg2: memref<32768x128xf32, #tpu.memory_space<hbm>>, %arg3: memref<1536x128xf32, #tpu.memory_space<hbm>>, %arg4: memref<32768xi32, #tpu.memory_space<hbm>>, %arg5: memref<32768x128xf32, #tpu.memory_space<hbm>>, %arg6: memref<128xi32, #tpu.memory_space<vmem>>, %arg7: memref<128x128xf32, #tpu.memory_space<vmem>>, %arg8: memref<128x128xf32, #tpu.memory_space<vmem>>, %arg9: memref<!tpu.dma_semaphore, #tpu.memory_space<semaphore_mem>>, %arg10: memref<!tpu.dma_semaphore, #tpu.memory_space<semaphore_mem>>) attributes {dimension_semantics = [#tpu.dimension_semantics<core_parallel>, #tpu.dimension_semantics<subcore_parallel>], iteration_bounds = array<i64: 2, 16>, scalar_prefetch = 0 : i64, scratch_operands = 5 : i64, tpu.core_type = #tpu.core_type<sc_vector_subcore>, window_params = [{transform_indices = #map}, {transform_indices = #map}, {transform_indices = #map1}, {transform_indices = #map}]} {
    %mul3A = arith.constant 2 : i32
    %mul3A_0 = arith.muli %arg1, %mul3A : i32
    %add3A = arith.addi %mul3A_0, %arg0 : i32
    %scan3A = arith.constant 0 : i32
    %scan3A_1 = arith.constant 0 : i32
    %scan3A_2 = arith.constant 8 : i32
    %scan3A_3 = arith.addi %scan3A_1, %scan3A_2 : i32
    %scan3A_4 = arith.constant 1 : i32
    scf.for %scan3A_6 = %scan3A_1 to %scan3A_3 step %scan3A_4  : i32 {
      %mul3A_7 = arith.constant 1024 : i32
      %mul3A_8 = arith.muli %add3A, %mul3A_7 : i32
      %mul3A_9 = arith.constant 128 : i32
      %mul3A_10 = arith.muli %scan3A_6, %mul3A_9 : i32
      %add3A_11 = arith.addi %mul3A_8, %mul3A_10 : i32
      %dma_start3A = arith.constant 0 : i32
      %dma_start3A_12 = tpu.memref_slice %arg2[%add3A_11, %dma_start3A] : memref<32768x128xf32, #tpu.memory_space<hbm>> -> memref<128x128xf32, #tpu.memory_space<hbm>>
      %dma_start3A_13 = arith.constant 0 : i32
      %dma_start3A_14 = tpu.memref_slice %arg2[%add3A_11, %dma_start3A_13] : memref<32768x128xf32, #tpu.memory_space<hbm>> -> memref<128x128xf32, #tpu.memory_space<hbm>>
      tpu.enqueue_dma source(%dma_start3A_14 : memref<128x128xf32, #tpu.memory_space<hbm>>) target(%arg7 : memref<128x128xf32, #tpu.memory_space<vmem>>) target_semaphore(%arg9 : memref<!tpu.dma_semaphore, #tpu.memory_space<semaphore_mem>>)
      %dma_wait3A = arith.constant 0 : i32
      %dma_wait3A_15 = tpu.memref_slice %arg2[%add3A_11, %dma_wait3A] : memref<32768x128xf32, #tpu.memory_space<hbm>> -> memref<128x128xf32, #tpu.memory_space<hbm>>
      %dma_wait3A_16 = arith.constant 0 : i32
      %dma_wait3A_17 = tpu.memref_slice %arg2[%add3A_11, %dma_wait3A_16] : memref<32768x128xf32, #tpu.memory_space<hbm>> -> memref<128x128xf32, #tpu.memory_space<hbm>>
      tpu.wait_dma2 semaphore(%arg9 : memref<!tpu.dma_semaphore, #tpu.memory_space<semaphore_mem>>) src(%dma_wait3A_17 : memref<128x128xf32, #tpu.memory_space<hbm>>) dst(%arg7 : memref<128x128xf32, #tpu.memory_space<vmem>>)
      "tpu.region"() ({
        %run_scoped3A = tpu.sem_alloc : memref<!tpu.dma_semaphore, #tpu.memory_space<semaphore_mem>>
        %dma_start3A_18 = arith.constant 0 : i32
        %dma_start3A_19 = tpu.memref_slice %arg5[%add3A_11, %dma_start3A_18] : memref<32768x128xf32, #tpu.memory_space<hbm>> -> memref<128x128xf32, #tpu.memory_space<hbm>>
        %dma_start3A_20 = arith.constant 0 : i32
        %dma_start3A_21 = tpu.memref_slice %arg5[%add3A_11, %dma_start3A_20] : memref<32768x128xf32, #tpu.memory_space<hbm>> -> memref<128x128xf32, #tpu.memory_space<hbm>>
        tpu.enqueue_dma source(%arg7 : memref<128x128xf32, #tpu.memory_space<vmem>>) target(%dma_start3A_21 : memref<128x128xf32, #tpu.memory_space<hbm>>) target_semaphore(%run_scoped3A : memref<!tpu.dma_semaphore, #tpu.memory_space<semaphore_mem>>)
        %dma_wait3A_22 = arith.constant 0 : i32
        %dma_wait3A_23 = tpu.memref_slice %arg5[%add3A_11, %dma_wait3A_22] : memref<32768x128xf32, #tpu.memory_space<hbm>> -> memref<128x128xf32, #tpu.memory_space<hbm>>
        %dma_wait3A_24 = arith.constant 0 : i32
        %dma_wait3A_25 = tpu.memref_slice %arg5[%add3A_11, %dma_wait3A_24] : memref<32768x128xf32, #tpu.memory_space<hbm>> -> memref<128x128xf32, #tpu.memory_space<hbm>>
        tpu.wait_dma2 semaphore(%run_scoped3A : memref<!tpu.dma_semaphore, #tpu.memory_space<semaphore_mem>>) src(%arg7 : memref<128x128xf32, #tpu.memory_space<vmem>>) dst(%dma_wait3A_25 : memref<128x128xf32, #tpu.memory_space<hbm>>)
        tpu.yield
      }) : () -> ()
    }
    %scan3A_5 = arith.constant 8 : i32
    return
  }
}

module attributes {stable_mosaic.version = 14 : i64} {
  func.func @_prep_body(%arg0: memref<1199x128xf32, #tpu.memory_space<vmem>>, %arg1: memref<1x64xi32, #tpu.memory_space<vmem>>, %arg2: memref<3x128xf32, #tpu.memory_space<vmem>>, %arg3: memref<1536x128xf32, #tpu.memory_space<vmem>>, %arg4: memref<512x64xi32, #tpu.memory_space<vmem>>) attributes {dimension_semantics = [], scalar_prefetch = 0 : i64, scratch_operands = 0 : i64, tpu.core_type = #tpu.core_type<tc>} {
    %iota3A = tpu.iota {dimensions = array<i32: 0>} : vector<512x1199xi32>
    %iota3A_0 = tpu.iota {dimensions = array<i32: 1>} : vector<512x1199xi32>
    %sub3A = arith.subi %iota3A_0, %iota3A : vector<512x1199xi32>
    %ge3A = arith.constant 88 : i32
    %ge3A_1 = vector.broadcast %ge3A : i32 to vector<512x1199xi32>
    %ge3A_2 = arith.cmpi sge, %sub3A, %ge3A_1 : vector<512x1199xi32>
    %le3A = arith.constant 599 : i32
    %le3A_3 = vector.broadcast %le3A : i32 to vector<512x1199xi32>
    %le3A_4 = arith.cmpi sle, %sub3A, %le3A_3 : vector<512x1199xi32>
    %and3A = arith.andi %ge3A_2, %le3A_4 : vector<512x1199xi1>
    %convert_element_type3A = arith.extui %and3A : vector<512x1199xi1> to vector<512x1199xi32>
    %convert_element_type3A_5 = arith.sitofp %convert_element_type3A : vector<512x1199xi32> to vector<512x1199xf32>
    %get3A = arith.constant 0 : index
    %get3A_6 = arith.constant 0 : index
    %get3A_7 = vector.load %arg0[%get3A, %get3A_6] : memref<1199x128xf32, #tpu.memory_space<vmem>>, vector<1199x128xf32>
    %dot_general3A = arith.constant dense<0.000000e+00> : vector<512x128xf32>
    %dot_general3A_8 = tpu.matmul %convert_element_type3A_5, %get3A_7, %dot_general3A {dimension_numbers = #tpu.dot_dimension_numbers<[1], [0], [0], [1], [0, 0, 1, 1], [], []>, transpose_lhs_hint = false} : vector<512x1199xf32>, vector<1199x128xf32>, vector<512x128xf32> -> vector<512x128xf32>
    %get3A_9 = arith.constant 0 : index
    %get3A_10 = arith.constant 0 : index
    %get3A_11 = vector.load %arg2[%get3A_9, %get3A_10] : memref<3x128xf32, #tpu.memory_space<vmem>>, vector<1x128xf32>
    %add3A = vector.broadcast %get3A_11 : vector<1x128xf32> to vector<512x128xf32>
    %add3A_12 = arith.addf %dot_general3A_8, %add3A : vector<512x128xf32>
    %swap3A = arith.constant 0 : index
    %swap3A_13 = arith.constant 0 : index
    %swap3A_14 = vector.load %arg3[%swap3A, %swap3A_13] : memref<1536x128xf32, #tpu.memory_space<vmem>>, vector<512x128xf32>
    tpu.vector_store %arg3[%swap3A, %swap3A_13], %add3A_12 {strides = array<i32>} : memref<1536x128xf32, #tpu.memory_space<vmem>>, vector<512x128xf32>,
    %get3A_15 = arith.constant 1 : index
    %get3A_16 = arith.constant 0 : index
    %get3A_17 = vector.load %arg2[%get3A_15, %get3A_16] : memref<3x128xf32, #tpu.memory_space<vmem>>, vector<1x128xf32>
    %add3A_18 = vector.broadcast %get3A_17 : vector<1x128xf32> to vector<512x128xf32>
    %add3A_19 = arith.addf %dot_general3A_8, %add3A_18 : vector<512x128xf32>
    %swap3A_20 = arith.constant 512 : index
    %swap3A_21 = arith.constant 0 : index
    %swap3A_22 = vector.load %arg3[%swap3A_20, %swap3A_21] : memref<1536x128xf32, #tpu.memory_space<vmem>>, vector<512x128xf32>
    tpu.vector_store %arg3[%swap3A_20, %swap3A_21], %add3A_19 {strides = array<i32>} : memref<1536x128xf32, #tpu.memory_space<vmem>>, vector<512x128xf32>,
    %get3A_23 = arith.constant 2 : index
    %get3A_24 = arith.constant 0 : index
    %get3A_25 = vector.load %arg2[%get3A_23, %get3A_24] : memref<3x128xf32, #tpu.memory_space<vmem>>, vector<1x128xf32>
    %add3A_26 = vector.broadcast %get3A_25 : vector<1x128xf32> to vector<512x128xf32>
    %add3A_27 = arith.addf %dot_general3A_8, %add3A_26 : vector<512x128xf32>
    %swap3A_28 = arith.constant 1024 : index
    %swap3A_29 = arith.constant 0 : index
    %swap3A_30 = vector.load %arg3[%swap3A_28, %swap3A_29] : memref<1536x128xf32, #tpu.memory_space<vmem>>, vector<512x128xf32>
    tpu.vector_store %arg3[%swap3A_28, %swap3A_29], %add3A_27 {strides = array<i32>} : memref<1536x128xf32, #tpu.memory_space<vmem>>, vector<512x128xf32>,
    %iota3A_31 = tpu.iota {dimensions = array<i32: 0>} : vector<512x64xi32>
    %get3A_32 = arith.constant 0 : index
    %get3A_33 = arith.constant 0 : index
    %get3A_34 = vector.load %arg1[%get3A_32, %get3A_33] : memref<1x64xi32, #tpu.memory_space<vmem>>, vector<1x64xi32>
    %lt3A = vector.broadcast %get3A_34 : vector<1x64xi32> to vector<512x64xi32>
    %lt3A_35 = arith.cmpi slt, %iota3A_31, %lt3A : vector<512x64xi32>
    %gt3A = vector.broadcast %get3A_34 : vector<1x64xi32> to vector<512x64xi32>
    %gt3A_36 = arith.cmpi sgt, %iota3A_31, %gt3A : vector<512x64xi32>
    %jit3A = arith.constant 1 : i32
    %jit3A_37 = arith.constant 0 : i32
    %broadcast_in_dim3A = vector.broadcast %jit3A : i32 to vector<512x64xi32>
    %broadcast_in_dim3A_38 = vector.broadcast %jit3A_37 : i32 to vector<512x64xi32>
    %select_n3A = arith.select %gt3A_36, %broadcast_in_dim3A, %broadcast_in_dim3A_38 : vector<512x64xi1>, vector<512x64xi32>
    %jit3A_39 = arith.constant 2 : i32
    %broadcast_in_dim3A_40 = vector.broadcast %jit3A_39 : i32 to vector<512x64xi32>
    %select_n3A_41 = arith.select %lt3A_35, %broadcast_in_dim3A_40, %select_n3A : vector<512x64xi1>, vector<512x64xi32>
    %mul3A = arith.constant 512 : i32
    %mul3A_42 = vector.broadcast %mul3A : i32 to vector<512x64xi32>
    %mul3A_43 = arith.muli %select_n3A_41, %mul3A_42 : vector<512x64xi32>
    %add3A_44 = arith.addi %mul3A_43, %iota3A_31 : vector<512x64xi32>
    %swap3A_45 = arith.constant 0 : index
    %swap3A_46 = arith.constant 0 : index
    %swap3A_47 = vector.load %arg4[%swap3A_45, %swap3A_46] : memref<512x64xi32, #tpu.memory_space<vmem>>, vector<512x64xi32>
    tpu.vector_store %arg4[%swap3A_45, %swap3A_46], %add3A_44 {strides = array<i32>} : memref<512x64xi32, #tpu.memory_space<vmem>>, vector<512x64xi32>,
    return
  }
}

</mosaic_0001>

<sc_bundles>
// kernel: kernel.4.cloned.1.call-start
scs
__scs_entry_jumppad:
0x0: {  	(pc) =	sbr.rel $0x88, $3  }
0x1: {  	(tag) =	ssettag $0x0;
	lr =	simm.s32 $0x1  }
0x2: {  	[smem:$0x3F9D] =	sst lr;
	_ =	strace $0xD0000000  }
0x3: {  	_ = 	snop  }
0x4: {  	_ = 	snop  }
0x5: {  	_ = 	snop  }
0x6: {  	_ = 	snop  }
0x7: {  	_ = 	snop  }
__scs_overlays_trampoline_lowered:
0x8: {  	[smem:$0x3FAC] =	sst s0  }
0x9: {  	[smem:$0x3FAD] =	sst s1  }
0xa: {  	[smem:$0x3FAE] =	sst s2  }
0xb: {  	[smem:$0x3FAF] =	sst s3  }
0xc: {  	[smem:$0x3FB0] =	sst s4  }
0xd: {  	[smem:$0x3FB1] =	sst s5  }
0xe: {  	[smem:$0x3FB2] =	sst s6  }
0xf: {  	[smem:$0x3FB3] =	sst s7  }
0x10: {  	[smem:$0x3FB4] =	sst s8  }
0x11: {  	[smem:$0x3FB5] =	sst s9;
	s0 =	simm.s32 @!p0 $0x0  }
0x12: {  	s1 =	sld [smem:$0x3F9B];
	s0 =	simm.s32 @p0 $0x1  }
0x13: {  	[smem:$0x3FB6] =	sst s0;
	s0 =	simm.s32 @!p1 $0x0  }
0x14: {  	s2 =	sld [smem:$0x3F9A];
	s0 =	simm.s32 @p1 $0x1  }
0x15: {  	[smem:$0x3FB7] =	sst s0;
	s0 =	simm.s32 @!p2 $0x0  }
0x16: {  	s3 =	sld [smem:$0x3FDB];
	s0 =	simm.s32 @p2 $0x1  }
0x17: {  	s4 =	simm.s32 $0x1BF5;
	[smem:$0x3FB9] =	sst s0  }
0x18: {  	s0 =	sld [smem:$0x3F9C];
	_ =	swait.ge [sflag:s4], $0x0  }
0x19: {  	s7 =	sld [smem:$0x3F9D]  }
0x1a: {  	s8 =	sadd.s32 $0xFFFFE003, lr  }
0x1b: {  	s9 =	sadd.s32 $0xFFFFFEF7, lr;
	s5 =	simm.s32 $0xFFFFFFFF;
	p2 =	slt.u32 s8, $0xFFFFF086  }
0x1c: {  	p1 =	slt.u32 s9, $0xF7A;
	s5 =	simm.s32 @!p2 $0x0  }
0x1d: {  	s5 =	simm.s32 @p1 $0x1;
	p0 =	seq.s32 s7, s2  }
0x1e: {  	s7 =	smul.u32 @!p0 $0xF7A, s2;
	p2 =	seq.s32 @!p0 s5, $0x0  }
0x1f: {  	s9 =	smul.u32 $0xF7A, s1;
	s8 =	simm.s32 @!p0 $0x1BF5;
	p2 =	por !p2, p0  }
0x20: {  	[sflag:s8] =	ssyncset.s32 @!p0 $0xFFFFF086;
	s6 =	sadd.s32 @!p0 s3, s7;
	s7 =	simm.s32 @!p0 $0x108  }
0x21: {  	s3 =	sadd.s32 s3, s9;
	s6 =	sadd.s32 @!p0 $0x88, s6;
	s7 =	simm.s32 @p2 $0x1082  }
0x22: {  	[simem:s7], [sflag:s8] =	dma.local @!p0 [hbm:s6], $0xF7A  }
0x23: {  	s9 =	sor.u32 $0xD0000000, s2;
	s6 =	simm.s32 $0x108;
	_ =	swait.ge @!p0 [sflag:s8], $0x0  }
0x24: {  	s3 =	sadd.s32 $0x88, s3;
	s6 =	simm.s32 @!p1 $0x1082;
	[sflag:s4] =	ssyncset.s32 $0xFFFFF086  }
0x25: {  	[simem:s6], [sflag:s4] =	dma.local [hbm:s3], $0xF7A  }
0x26: {  	[smem:$0x3F9D] =	sst s1;
	(tag) =	ssettag s2;
	_ =	strace s9  }
0x27: {  	s1 =	sld [smem:$0x3FAD]  }
0x28: {  	s2 =	sld [smem:$0x3FAE]  }
0x29: {  	s4 =	sld [smem:$0x3FB0]  }
0x2a: {  	p0 =	seq.s32 s5, $0x0;
	s5 =	sld [smem:$0x3FB1]  }
0x2b: {  	s6 =	sld [smem:$0x3FB2]  }
0x2c: {  	s7 =	sld [smem:$0x3FB3]  }
0x2d: {  	s3 =	simm.s32 $0x108;
	s8 =	sld [smem:$0x3FB4]  }
0x2e: {  	s3 =	simm.s32 @!p0 $0x1082;
	s9 =	sld [smem:$0x3FB5]  }
0x2f: {  	lr =	sadd.s32 s0, s3;
	s0 =	sld [smem:$0x3FAC]  }
0x30: {  	s3 =	sld [smem:$0x3FAF]  }
0x31: {  	[smem:$0x3FB8] =	sst s10  }
0x32: {  	s10 =	sld [smem:$0x3FB6];
	_ =	sdelay $0x3  }
0x33: {  	p0 =	seq.s32 s10, $0x1;
	s10 =	sld [smem:$0x3FB8];
	_ =	sdelay $0x3  }
0x34: {  	[smem:$0x3FB8] =	sst s10  }
0x35: {  	s10 =	sld [smem:$0x3FB7];
	_ =	sdelay $0x3  }
0x36: {  	p1 =	seq.s32 s10, $0x1;
	s10 =	sld [smem:$0x3FB8];
	_ =	sdelay $0x3  }
0x37: {  	[smem:$0x3FB8] =	sst s10  }
0x38: {  	s10 =	sld [smem:$0x3FB9]  }
0x39: {  	_ = 	snop;
	(pc) =	sbr.ind lr, $3  }
0x3a: {  	_ = 	snop  }
0x3b: {  	_ = 	snop  }
0x3c: {  	p2 =	seq.s32 s10, $0x1;
	s10 =	sld [smem:$0x3FB8]  }
0x3d: {  	_ =	shalt  }
0x3e: {  	_ =	shalt  }
0x3f: {  	_ =	shalt  }
0x40: {  	_ =	shalt  }
0x41: {  	_ =	shalt  }
0x42: {  	_ =	shalt  }
0x43: {  	_ =	shalt  }
0x44: {  	_ =	shalt  }
0x45: {  	_ =	shalt  }
0x46: {  	_ =	shalt  }
0x47: {  	_ =	shalt  }
0x48: {  	_ =	shalt  }
0x49: {  	_ =	shalt  }
0x4a: {  	_ =	shalt  }
0x4b: {  	_ =	shalt  }
0x4c: {  	_ =	shalt  }
0x4d: {  	_ =	shalt  }
0x4e: {  	_ =	shalt  }
0x4f: {  	_ =	shalt  }
0x50: {  	_ =	shalt  }
0x51: {  	_ =	shalt  }
0x52: {  	_ =	shalt  }
0x53: {  	_ =	shalt  }
0x54: {  	_ =	shalt  }
0x55: {  	_ =	shalt  }
0x56: {  	_ =	shalt  }
0x57: {  	_ =	shalt  }
0x58: {  	_ =	shalt  }
0x59: {  	_ =	shalt  }
0x5a: {  	_ =	shalt  }
0x5b: {  	_ =	shalt  }
0x5c: {  	_ =	shalt  }
0x5d: {  	_ =	shalt  }
0x5e: {  	_ =	shalt  }
0x5f: {  	_ =	shalt  }
0x60: {  	_ =	shalt  }
0x61: {  	_ =	shalt  }
0x62: {  	_ =	shalt  }
0x63: {  	_ =	shalt  }
0x64: {  	_ =	shalt  }
0x65: {  	_ =	shalt  }
0x66: {  	_ =	shalt  }
0x67: {  	_ =	shalt  }
0x68: {  	_ =	shalt  }
0x69: {  	_ =	shalt  }
0x6a: {  	_ =	shalt  }
0x6b: {  	_ =	shalt  }
0x6c: {  	_ =	shalt  }
0x6d: {  	_ =	shalt  }
0x6e: {  	_ =	shalt  }
0x6f: {  	_ =	shalt  }
0x70: {  	_ =	shalt  }
0x71: {  	_ =	shalt  }
0x72: {  	_ =	shalt  }
0x73: {  	_ =	shalt  }
0x74: {  	_ =	shalt  }
0x75: {  	_ =	shalt  }
0x76: {  	_ =	shalt  }
0x77: {  	_ =	shalt  }
0x78: {  	_ =	shalt  }
0x79: {  	_ =	shalt  }
0x7a: {  	_ =	shalt  }
0x7b: {  	_ =	shalt  }
0x7c: {  	_ =	shalt  }
0x7d: {  	_ =	shalt  }
0x7e: {  	_ =	shalt  }
0x7f: {  	_ =	shalt  }
0x80: {  	_ =	shalt  }
0x81: {  	_ =	shalt  }
0x82: {  	_ =	shalt  }
0x83: {  	_ =	shalt  }
0x84: {  	_ =	shalt  }
0x85: {  	_ =	shalt  }
0x86: {  	_ =	shalt  }
0x87: {  	_ =	shalt  }
.Lfunc_end0:
.L_simem_size_0:
called_computation_lowered:
.L_overlay_start_0:
0x88: {  	s2 =	sld [smem:$0x3FD9]  }
0x89: {  	s3 =	sld [smem:$0x3FFE];
	_ =	sdelay $0x1  }
0x8a: {  	s1 =	srdreg.scid  }
0x8b: {  	s0 =	sand.u32 $0x1, s1  }
0x8c: {  	s18 =	sshll.u32 s0, $0xA;
	s2 =	sadd.s32 s3, s2  }
0x8d: {  	s2 =	sadd.s32 s2, s18  }
0x8e: {  	[smem:$0x3FC4] =	sst s2  }
0x8f: {  	_ = 	snop  }
0x90: {  	s2 =	sld [smem:$0x3FC9]  }
0x91: {  	s19 =	sld [smem:$0x3FD0];
	(tm) =	ssettm $0x1  }
0x92: {  	s4 =	sld [smem:$0x3FFB];
	_ =	sdelay $0x3  }
0x93: {  	_ =	strace s4  }
0x94: {  	s4 =	sld [smem:$0x3FFC];
	_ =	sdelay $0x3  }
0x95: {  	_ =	strace s4  }
0x96: {  	s4 =	sld [smem:$0x3FFD];
	_ =	sdelay $0x3  }
0x97: {  	_ =	strace s4  }
0x98: {  	_ =	strace $0x8FFFFFFF  }
0x99: {  	s20 =	sld [smem:$0x3FDB];
	_ =	sdelay $0x1  }
0x9a: {  	s5 =	simm.s32 $_scs_section_size  }
0x9b: {  	s6 =	simm.s32 $_size__tile_overlayer_lowered;
	s7 =	simm.s32 $_tile_overlayer_lowered  }
0x9c: {  	s23 =	simm.s32 $0x1BFF;
	s22 =	sshll.u32 s7, $0x1;
	s4 =	sadd.s32 s5, s20  }
0x9d: {  	s8 =	simm.s32 $0x0;
	s21 =	sshll.u32 s6, $0x1;
	s6 =	sadd.s32 s22, s4  }
0x9e: {  	[timem:s8], [sflag:s23] =	dma.local [hbm:s6], s21  }
0x9f: {  	_ =	swait.ge [sflag:s23], s21  }
0xa0: {  	s5 =	ssub.s32 $0x0, s21;
	[sflag:s23] =	ssyncset.done $0x0  }
0xa1: {  	[sflag:s23] =	ssyncadd.s32 s5;
	_ =	sdelay $0x1  }
0xa2: {  	s24 =	simm.s32 $0x1B8B  }
0xa3: {  	_ =	swait.ge [sflag:s24], $0x1  }
0xa4: {  	[sflag:s24] =	ssyncset.done $0x0  }
0xa5: {  	s25 =	simm.s32 $0x1B8E;
	[sflag:s24] =	ssyncadd.s32 $0xFFFFFFFF  }
0xa6: {  	s26 =	simm.s32 $execute0_lowered;
	[smem:$0x3FD2] =	sst s25  }
0xa7: {  	s5 =	sshll.u32 s26, $0x1;
	_ =	strace $0x80000046;
	[dreg:$0x1] =	wrdreg $0xFFFFFFFF  }
0xa8: {  	s28 =	simm.s32 $_size_execute0_lowered;
	s4 =	sadd.s32 s4, s5;
	[dreg:$0x0] =	wrdreg $0x0  }
0xa9: {  	s5 =	sshll.u32 s28, $0x1;
	[dreg:$0x2] =	wrdreg s4  }
0xaa: {  	[dreg:$0x3] =	wrdreg s5  }
0xab: {  	[dreg:$0x4] =	wrdreg $0xC0  }
0xac: {  	_ =	task [dreg:s8], $0x5FFFF  }
0xad: {  	[dreg:$0x1] =	wrdreg $0xFFFFFFFF  }
0xae: {  	[dreg:$0x0] =	wrdreg $0x60  }
0xaf: {  	[dreg:$0x2] =	wrdreg s2  }
0xb0: {  	[dreg:$0x3] =	wrdreg s19  }
0xb1: {  	[dreg:$0x4] =	wrdreg $0x9  }
0xb2: {  	_ =	task.clear_ibuf [dreg:s8], $0x5FFFF;
	_ =	strace $0x90000046  }
0xb3: {  	s29 =	simm.s32 $0x9;
	_ =	strace $0x80000048  }
0xb4: {  	_ =	swait.ge [sflag:s29], $0x1  }
0xb5: {  	[sflag:s29] =	ssyncadd.s32 $0xFFFFFFFF  }
0xb6: {  	_ =	strace $0x90000048  }
0xb7: {  	_ =	sfence  }
0xb8: {  	s30 =	sld [smem:$0x0];
	_ =	sdelay $0x2  }
0xb9: {  	s31 =	sshll.u32 s1, $0xD;
	s1 =	sshrl.u32 s1, $0x2  }
0xba: {  	s3 =	sand.u32 $0x4000, s31;
	s1 =	sadd.s32 s1, s30  }
0xbb: {  	s0 =	sor.u32 s3, s0;
	s1 =	sshll.u32 s1, $0x11  }
0xbc: {  	s0 =	sor.u32 s1, s0  }
0xbd: {  	s0 =	sadd.s32 $0x8F2B, s0  }
0xbe: {  	[sflag:s0] =	ssyncadd.remote.s32 $0x1  }
0xbf: {  	_ =	sfence.sel $0xFFFF  }
0xc0: {  	[dreg:$0x0] =	wrdreg $0xFFFFFFFF;
	(pc) =	sbr.abs _section_cstart, $3  }
0xc1: {  	[dreg:$0x1] =	wrdreg $0xFFFFFFFF  }
0xc2: {  	_ =	task.clear_ibuf [dreg:s8], $0x2FFFF;
	_ =	strace $0x9FFFFFFF  }
0xc3: {  	(tm) =	ssettm $0x7FFFFFFF  }
tec
execute0_lowered:
.L_overlay_start_1:
0x0: {  	(tag) =	ssettag $0x1  }
0x1: {  	s19 =	rddreg [dreg:$0x0]  }
0x2: {  	s20 =	rddreg [dreg:$0x1];
	s2 =	srdreg.scid  }
0x3: {  	s0 =	rddreg [dreg:$0x2];
	s1 =	stileid.u32;
	s21 =	sand.u32 $0x1, s2  }
0x4: {  	s2 =	simm.s32 $0x0;
	s3 =	sshll.u32 s1, $0xF;
	s4 =	sshll.u32 s21, $0xE  }
0x5: {  	[smem:$0x7FF] =	sst s2;
	s22 =	sor.u32 s4, s3  }
0x6: {  	_ =	strace $0x80000047;
	s4 =	simm.s32 $0x1;
	s3 =	sadd.s32 s19, s22  }
0x7: {  	[tilespmem:s2], [sflag:$0x1] =	stream.linear.gather [hbm4b:s3+s2], $0x4000, $0x38;
	[tilespmem:$0x4000] =	vst v63  }
0x8: {  	_ =	swait.ge [sflag:s4], $0x4000  }
0x9: {  	[sflag:s4] =	ssyncset.done $0x0  }
0xa: {  	s5 =	simm.s32 $0x2;
	s6 =	sadd.s32 s20, s22;
	[sflag:s4] =	ssyncadd.s32 $0xFFFFC000  }
0xb: {  	[hbm4b:s6+s2] =	stream.linear.scatter [tilespmem:s2], [sflag:$0x2], $0x4000, $0x38;
	[tilespmem:$0x4000] =	vst v63  }
0xc: {  	_ =	swait.ge [sflag:s5], $0x4000  }
0xd: {  	s8 =	sor.u32 $0x800, s22;
	[sflag:s5] =	ssyncset.done $0x0  }
0xe: {  	s7 =	sadd.s32 s19, s8;
	[sflag:s5] =	ssyncadd.s32 $0xFFFFC000  }
0xf: {  	[tilespmem:s2], [sflag:$0x1] =	stream.linear.gather [hbm4b:s7+s2], $0x4000, $0x38;
	[tilespmem:$0x4000] =	vst v63  }
0x10: {  	_ =	swait.ge [sflag:s4], $0x4000  }
0x11: {  	[sflag:s4] =	ssyncset.done $0x0  }
0x12: {  	s8 =	sadd.s32 s20, s8;
	[sflag:s4] =	ssyncadd.s32 $0xFFFFC000  }
0x13: {  	[hbm4b:s8+s2] =	stream.linear.scatter [tilespmem:s2], [sflag:$0x2], $0x4000, $0x38;
	[tilespmem:$0x4000] =	vst v63  }
0x14: {  	_ =	swait.ge [sflag:s5], $0x4000  }
0x15: {  	s10 =	sor.u32 $0x1000, s22;
	[sflag:s5] =	ssyncset.done $0x0  }
0x16: {  	s9 =	sadd.s32 s19, s10;
	[sflag:s5] =	ssyncadd.s32 $0xFFFFC000  }
0x17: {  	[tilespmem:s2], [sflag:$0x1] =	stream.linear.gather [hbm4b:s9+s2], $0x4000, $0x38;
	[tilespmem:$0x4000] =	vst v63  }
0x18: {  	_ =	swait.ge [sflag:s4], $0x4000  }
0x19: {  	[sflag:s4] =	ssyncset.done $0x0  }
0x1a: {  	s10 =	sadd.s32 s20, s10;
	[sflag:s4] =	ssyncadd.s32 $0xFFFFC000  }
0x1b: {  	[hbm4b:s10+s2] =	stream.linear.scatter [tilespmem:s2], [sflag:$0x2], $0x4000, $0x38;
	[tilespmem:$0x4000] =	vst v63  }
0x1c: {  	_ =	swait.ge [sflag:s5], $0x4000  }
0x1d: {  	s12 =	sor.u32 $0x1800, s22;
	[sflag:s5] =	ssyncset.done $0x0  }
0x1e: {  	s11 =	sadd.s32 s19, s12;
	[sflag:s5] =	ssyncadd.s32 $0xFFFFC000  }
0x1f: {  	[tilespmem:s2], [sflag:$0x1] =	stream.linear.gather [hbm4b:s11+s2], $0x4000, $0x38;
	[tilespmem:$0x4000] =	vst v63  }
0x20: {  	_ =	swait.ge [sflag:s4], $0x4000  }
0x21: {  	[sflag:s4] =	ssyncset.done $0x0  }
0x22: {  	s12 =	sadd.s32 s20, s12;
	[sflag:s4] =	ssyncadd.s32 $0xFFFFC000  }
0x23: {  	[hbm4b:s12+s2] =	stream.linear.scatter [tilespmem:s2], [sflag:$0x2], $0x4000, $0x38;
	[tilespmem:$0x4000] =	vst v63  }
0x24: {  	_ =	swait.ge [sflag:s5], $0x4000  }
0x25: {  	s14 =	sor.u32 $0x2000, s22;
	[sflag:s5] =	ssyncset.done $0x0  }
0x26: {  	s13 =	sadd.s32 s19, s14;
	[sflag:s5] =	ssyncadd.s32 $0xFFFFC000  }
0x27: {  	[tilespmem:s2], [sflag:$0x1] =	stream.linear.gather [hbm4b:s13+s2], $0x4000, $0x38;
	[tilespmem:$0x4000] =	vst v63  }
0x28: {  	_ =	swait.ge [sflag:s4], $0x4000  }
0x29: {  	[sflag:s4] =	ssyncset.done $0x0  }
0x2a: {  	s14 =	sadd.s32 s20, s14;
	[sflag:s4] =	ssyncadd.s32 $0xFFFFC000  }
0x2b: {  	[hbm4b:s14+s2] =	stream.linear.scatter [tilespmem:s2], [sflag:$0x2], $0x4000, $0x38;
	[tilespmem:$0x4000] =	vst v63  }
0x2c: {  	_ =	swait.ge [sflag:s5], $0x4000  }
0x2d: {  	s16 =	sor.u32 $0x2800, s22;
	[sflag:s5] =	ssyncset.done $0x0  }
0x2e: {  	s15 =	sadd.s32 s19, s16;
	[sflag:s5] =	ssyncadd.s32 $0xFFFFC000  }
0x2f: {  	[tilespmem:s2], [sflag:$0x1] =	stream.linear.gather [hbm4b:s15+s2], $0x4000, $0x38;
	[tilespmem:$0x4000] =	vst v63  }
0x30: {  	_ =	swait.ge [sflag:s4], $0x4000  }
0x31: {  	[sflag:s4] =	ssyncset.done $0x0  }
0x32: {  	s16 =	sadd.s32 s20, s16;
	[sflag:s4] =	ssyncadd.s32 $0xFFFFC000  }
0x33: {  	[hbm4b:s16+s2] =	stream.linear.scatter [tilespmem:s2], [sflag:$0x2], $0x4000, $0x38;
	[tilespmem:$0x4000] =	vst v63  }
0x34: {  	_ =	swait.ge [sflag:s5], $0x4000  }
0x35: {  	s18 =	sor.u32 $0x3000, s22;
	[sflag:s5] =	ssyncset.done $0x0  }
0x36: {  	s17 =	sadd.s32 s19, s18;
	[sflag:s5] =	ssyncadd.s32 $0xFFFFC000  }
0x37: {  	[tilespmem:s2], [sflag:$0x1] =	stream.linear.gather [hbm4b:s17+s2], $0x4000, $0x38;
	[tilespmem:$0x4000] =	vst v63  }
0x38: {  	_ =	swait.ge [sflag:s4], $0x4000  }
0x39: {  	[sflag:s4] =	ssyncset.done $0x0  }
0x3a: {  	s21 =	ssub.s32 $0x2, s21;
	s18 =	sadd.s32 s20, s18;
	[sflag:s4] =	ssyncadd.s32 $0xFFFFC000  }
0x3b: {  	[hbm4b:s18+s2] =	stream.linear.scatter [tilespmem:s2], [sflag:$0x2], $0x4000, $0x38;
	[tilespmem:$0x4000] =	vst v63  }
0x3c: {  	s23 =	sshrl.u32 s21, $0x1;
	_ =	swait.ge [sflag:s5], $0x4000  }
0x3d: {  	s22 =	sor.u32 $0x3800, s22;
	s21 =	ssub.s32 s21, s23;
	[sflag:s5] =	ssyncset.done $0x0  }
0x3e: {  	s19 =	sadd.s32 s19, s22;
	s21 =	smax.u32 s21, $0x1;
	[sflag:s5] =	ssyncadd.s32 $0xFFFFC000  }
0x3f: {  	[tilespmem:s2], [sflag:$0x1] =	stream.linear.gather [hbm4b:s19+s2], $0x4000, $0x38;
	[tilespmem:$0x4000] =	vst v63  }
0x40: {  	p0 =	sne.s32 s21, $0x1;
	_ =	swait.ge [sflag:s4], $0x4000  }
.Ltmp0:
0x41: {  	[sflag:s4] =	ssyncset.done $0x0;
	(pc) =	sbr.rel @!p0 .LBB2_2-.Ltmp0, $4  }
0x42: {  	s20 =	sadd.s32 s20, s22;
	[sflag:s4] =	ssyncadd.s32 $0xFFFFC000  }
0x43: {  	[hbm4b:s20+s2] =	stream.linear.scatter [tilespmem:s2], [sflag:$0x2], $0x4000, $0x38;
	[tilespmem:$0x4000] =	vst v63  }
0x44: {  	_ =	swait.ge [sflag:s5], $0x4000  }
0x45: {  	s21 =	sadd.s32 $0xFFFFFFFF, s21;
	[sflag:s5] =	ssyncset.done $0x0  }
.LBB2_1:
0x46: {  	p0 =	sne.s32 s21, $0x1;
	s21 =	sadd.s32 $0xFFFFFFFF, s21;
	[sflag:s5] =	ssyncadd.s32 $0xFFFFC000  }
0x47: {  	[tilespmem:s2], [sflag:$0x1] =	stream.linear.gather [hbm4b:s3+s2], $0x4000, $0x38;
	[tilespmem:$0x4000] =	vst v63  }
0x48: {  	_ =	swait.ge [sflag:s4], $0x4000  }
0x49: {  	[sflag:s4] =	ssyncset.done $0x0  }
0x4a: {  	[sflag:s4] =	ssyncadd.s32 $0xFFFFC000  }
0x4b: {  	[hbm4b:s6+s2] =	stream.linear.scatter [tilespmem:s2], [sflag:$0x2], $0x4000, $0x38;
	[tilespmem:$0x4000] =	vst v63  }
0x4c: {  	_ =	swait.ge [sflag:s5], $0x4000  }
0x4d: {  	[sflag:s5] =	ssyncset.done $0x0  }
0x4e: {  	[sflag:s5] =	ssyncadd.s32 $0xFFFFC000  }
0x4f: {  	[tilespmem:s2], [sflag:$0x1] =	stream.linear.gather [hbm4b:s7+s2], $0x4000, $0x38;
	[tilespmem:$0x4000] =	vst v63  }
0x50: {  	_ =	swait.ge [sflag:s4], $0x4000  }
0x51: {  	[sflag:s4] =	ssyncset.done $0x0  }
0x52: {  	[sflag:s4] =	ssyncadd.s32 $0xFFFFC000  }
0x53: {  	[hbm4b:s8+s2] =	stream.linear.scatter [tilespmem:s2], [sflag:$0x2], $0x4000, $0x38;
	[tilespmem:$0x4000] =	vst v63  }
0x54: {  	_ =	swait.ge [sflag:s5], $0x4000  }
0x55: {  	[sflag:s5] =	ssyncset.done $0x0  }
0x56: {  	[sflag:s5] =	ssyncadd.s32 $0xFFFFC000  }
0x57: {  	[tilespmem:s2], [sflag:$0x1] =	stream.linear.gather [hbm4b:s9+s2], $0x4000, $0x38;
	[tilespmem:$0x4000] =	vst v63  }
0x58: {  	_ =	swait.ge [sflag:s4], $0x4000  }
0x59: {  	[sflag:s4] =	ssyncset.done $0x0  }
0x5a: {  	[sflag:s4] =	ssyncadd.s32 $0xFFFFC000  }
0x5b: {  	[hbm4b:s10+s2] =	stream.linear.scatter [tilespmem:s2], [sflag:$0x2], $0x4000, $0x38;
	[tilespmem:$0x4000] =	vst v63  }
0x5c: {  	_ =	swait.ge [sflag:s5], $0x4000  }
0x5d: {  	[sflag:s5] =	ssyncset.done $0x0  }
0x5e: {  	[sflag:s5] =	ssyncadd.s32 $0xFFFFC000  }
0x5f: {  	[tilespmem:s2], [sflag:$0x1] =	stream.linear.gather [hbm4b:s11+s2], $0x4000, $0x38;
	[tilespmem:$0x4000] =	vst v63  }
0x60: {  	_ =	swait.ge [sflag:s4], $0x4000  }
0x61: {  	[sflag:s4] =	ssyncset.done $0x0  }
0x62: {  	[sflag:s4] =	ssyncadd.s32 $0xFFFFC000  }
0x63: {  	[hbm4b:s12+s2] =	stream.linear.scatter [tilespmem:s2], [sflag:$0x2], $0x4000, $0x38;
	[tilespmem:$0x4000] =	vst v63  }
0x64: {  	_ =	swait.ge [sflag:s5], $0x4000  }
0x65: {  	[sflag:s5] =	ssyncset.done $0x0  }
0x66: {  	[sflag:s5] =	ssyncadd.s32 $0xFFFFC000  }
0x67: {  	[tilespmem:s2], [sflag:$0x1] =	stream.linear.gather [hbm4b:s13+s2], $0x4000, $0x38;
	[tilespmem:$0x4000] =	vst v63  }
0x68: {  	_ =	swait.ge [sflag:s4], $0x4000  }
0x69: {  	[sflag:s4] =	ssyncset.done $0x0  }
0x6a: {  	[sflag:s4] =	ssyncadd.s32 $0xFFFFC000  }
0x6b: {  	[hbm4b:s14+s2] =	stream.linear.scatter [tilespmem:s2], [sflag:$0x2], $0x4000, $0x38;
	[tilespmem:$0x4000] =	vst v63  }
0x6c: {  	_ =	swait.ge [sflag:s5], $0x4000  }
0x6d: {  	[sflag:s5] =	ssyncset.done $0x0  }
0x6e: {  	[sflag:s5] =	ssyncadd.s32 $0xFFFFC000  }
0x6f: {  	[tilespmem:s2], [sflag:$0x1] =	stream.linear.gather [hbm4b:s15+s2], $0x4000, $0x38;
	[tilespmem:$0x4000] =	vst v63  }
0x70: {  	_ =	swait.ge [sflag:s4], $0x4000  }
0x71: {  	[sflag:s4] =	ssyncset.done $0x0  }
0x72: {  	[sflag:s4] =	ssyncadd.s32 $0xFFFFC000  }
0x73: {  	[hbm4b:s16+s2] =	stream.linear.scatter [tilespmem:s2], [sflag:$0x2], $0x4000, $0x38;
	[tilespmem:$0x4000] =	vst v63  }
0x74: {  	_ =	swait.ge [sflag:s5], $0x4000  }
0x75: {  	[sflag:s5] =	ssyncset.done $0x0  }
0x76: {  	[sflag:s5] =	ssyncadd.s32 $0xFFFFC000  }
0x77: {  	[tilespmem:s2], [sflag:$0x1] =	stream.linear.gather [hbm4b:s17+s2], $0x4000, $0x38;
	[tilespmem:$0x4000] =	vst v63  }
0x78: {  	_ =	swait.ge [sflag:s4], $0x4000  }
0x79: {  	[sflag:s4] =	ssyncset.done $0x0  }
0x7a: {  	[sflag:s4] =	ssyncadd.s32 $0xFFFFC000  }
0x7b: {  	[hbm4b:s18+s2] =	stream.linear.scatter [tilespmem:s2], [sflag:$0x2], $0x4000, $0x38;
	[tilespmem:$0x4000] =	vst v63  }
0x7c: {  	_ =	swait.ge [sflag:s5], $0x4000  }
0x7d: {  	[sflag:s5] =	ssyncset.done $0x0  }
0x7e: {  	[sflag:s5] =	ssyncadd.s32 $0xFFFFC000  }
0x7f: {  	[tilespmem:s2], [sflag:$0x1] =	stream.linear.gather [hbm4b:s19+s2], $0x4000, $0x38;
	[tilespmem:$0x4000] =	vst v63  }
0x80: {  	_ =	swait.ge [sflag:s4], $0x4000  }
.Ltmp1:
0x81: {  	[sflag:s4] =	ssyncset.done $0x0;
	(pc) =	sbr.rel @p0 .LBB2_1-.Ltmp1, $4  }
0x82: {  	[sflag:s4] =	ssyncadd.s32 $0xFFFFC000  }
0x83: {  	[hbm4b:s20+s2] =	stream.linear.scatter [tilespmem:s2], [sflag:$0x2], $0x4000, $0x38;
	[tilespmem:$0x4000] =	vst v63  }
0x84: {  	_ =	swait.ge [sflag:s5], $0x4000  }
0x85: {  	[sflag:s5] =	ssyncset.done $0x0  }
.LBB2_2:
0x86: {  	[sflag:s5] =	ssyncadd.s32 $0xFFFFC000  }
0x87: {  	_ =	sfence.sel $0x180000  }
0x88: {  	[bflag:$0x0] =	sbarrier.arrive $0xFFFF  }
0x89: {  	p0 =	sne.s32 s1, $0x0;
	_ =	strace $0x90000047  }
0x8a: {  	s0 =	sadd.s32 @!p0 $0x100000, s0;
	[bflag:$0x2] =	sbarrier.arrive $0xFFFF  }
0x8b: {  	[sflag:s0] =	ssyncadd.tile.s32 @!p0 $0x1;
	_ =	shalt  }
.Lfunc_end2:
_tile_overlayer_lowered:
.L_overlay_start_2:
0x8c: {  	(tag) =	ssettag $0x2  }
0x8d: {  	s0 =	rddreg [dreg:$0x0];
	s2 =	stileid.u32  }
0x8e: {  	s1 =	rddreg [dreg:$0x1];
	p0 =	sne.s32 s2, $0x0  }
0x8f: {  	s3 =	rddreg [dreg:$0x2];
	[bflag:$0x3] =	sbarrier.arrive $0xFFFF;
	s2 =	simm.s32 @!p0 $0x1C02  }
0x90: {  	[timem:s3], [sflag:s2] =	dma.local @!p0 [hbm:s0], s1  }
0x91: {  	s0 =	simm.s32 @!p0 $0x2  }
0x92: {  	_ =	swait.ge @!p0 [sflag:s0], s1  }
0x93: {  	s1 =	ssub.s32 @!p0 $0x0, s1;
	[sflag:s0] =	ssyncset.done @!p0 $0x0  }
0x94: {  	[sflag:s0] =	ssyncadd.s32 @!p0 s1  }
0x95: {  	[bflag:$0x3] =	sbarrier.arrive $0xFFFF  }
0x96: {  	_ =	shalt  }

</sc_bundles>
